<compile_context>
chip_gen: v7x
topology: tpu7x:2x2x1
jax: 0.10.2.dev20260603
libtpu: 0.0.44.dev20260713+nightly
codegen_flags: <defaults>
</compile_context>

<pallas_src>
import functools

import jax
import jax.numpy as jnp
from jax import lax
from jax.experimental import pallas as pl
from jax.experimental.pallas import tpu as pltpu
from jax.experimental.pallas import tpu_sc as plsc

VOCAB = 100000
D = 128
B = 1024
K = 5

_NC = 2
_NS = 16
_NW = _NC * _NS
_B_PER_W = B // _NW

BV = 4096
NB = (VOCAB + BV - 1) // BV


def _sc_gather_body(emb_hbm, tok_hbm, out_hbm, idx_v, rows_v, sem):
    wid = lax.axis_index("s") * _NC + lax.axis_index("c")
    base = wid * _B_PER_W
    pltpu.sync_copy(tok_hbm.at[pl.ds(base, _B_PER_W)], idx_v)
    pltpu.async_copy(emb_hbm.at[idx_v], rows_v, sem).wait()
    pltpu.sync_copy(rows_v, out_hbm.at[pl.ds(base, _B_PER_W)])


def _gather_queries(emb_norm, token_id):
    mesh = plsc.VectorSubcoreMesh(core_axis_name="c", subcore_axis_name="s")
    k = functools.partial(
        pl.kernel,
        mesh=mesh,
        out_type=jax.ShapeDtypeStruct((B, D), jnp.float32),
        scratch_types=[
            pltpu.VMEM((_B_PER_W,), jnp.int32),
            pltpu.VMEM((_B_PER_W, D), jnp.float32),
            pltpu.SemaphoreType.DMA,
        ],
    )(_sc_gather_body)
    return k(emb_norm, token_id)


def _tc_body(q_raw_ref, emb_ref, vals_ref, idx_ref, qn_ref):
    i = pl.program_id(0)

    @pl.when(i == 0)
    def _():
        q = q_raw_ref[...]
        n = jnp.sqrt(jnp.sum(q * q, axis=1, keepdims=True))
        qn_ref[...] = q / jnp.maximum(n, 1e-12)

    s = lax.dot_general(
        qn_ref[...], emb_ref[...],
        dimension_numbers=(((1,), (1,)), ((), ())),
        preferred_element_type=jnp.float32,
    )
    revi = ((B - 1) - lax.broadcasted_iota(jnp.int32, s.shape, 0)
            ).astype(jnp.float32)
    neg_inf = jnp.float32(-jnp.inf)
    for j in range(K):
        m = jnp.max(s, axis=0)
        r = jnp.max(jnp.where(s == m[None, :], revi, -1.0), axis=0)
        vals_ref[j, :] = m
        idx_ref[j, :] = (jnp.float32(B - 1) - r).astype(jnp.int32)
        if j + 1 < K:
            s = jnp.where(revi == r[None, :], neg_inf, s)


def _topk_tc(q_raw, emb_norm):
    return pl.pallas_call(
        _tc_body,
        grid=(NB,),
        in_specs=[
            pl.BlockSpec((B, D), lambda i: (0, 0)),
            pl.BlockSpec((BV, D), lambda i: (i, 0)),
        ],
        out_specs=[
            pl.BlockSpec((K, BV), lambda i: (0, i)),
            pl.BlockSpec((K, BV), lambda i: (0, i)),
        ],
        out_shape=[
            jax.ShapeDtypeStruct((K, VOCAB), jnp.float32),
            jax.ShapeDtypeStruct((K, VOCAB), jnp.int32),
        ],
        scratch_shapes=[pltpu.VMEM((B, D), jnp.float32)],
    )(q_raw, emb_norm)


def kernel(emb_norm, token_id):
    q_raw = _gather_queries(emb_norm, token_id)
    top_vals, top_idx = _topk_tc(q_raw, emb_norm)
    return (top_idx, top_vals)

# --- scband reference (transcript-rebuilt; emitter-appended) ---
"""Pipeline reference for scband-token-knn-35296041239298 (READ-ONLY COPY).

The authoritative reference and input builder live on the scoring server;
editing this copy changes nothing except your own understanding.
"""

import jax, jax.numpy as jnp
import numpy as np

VOCAB = 100000
D = 128
B = 1024
K = 5

def _normalize(x, eps=1e-12):
    n = jnp.linalg.norm(x, ord=2, axis=1, keepdims=True)
    return x / jnp.maximum(n, eps)

def setup_inputs(seed: int = 0) -> dict:
    key = jax.random.key(seed)
    k1, k2 = jax.random.split(key)
    emb = jax.random.normal(k1, (VOCAB, D), dtype=jnp.float32)
    emb_norm = _normalize(emb)  # buffer is pre-normalized, matching the torch setup
    token_id = jax.random.randint(k2, (B,), 0, VOCAB, dtype=jnp.int32)
    return {"emb_norm": emb_norm, "token_id": token_id}

def reference(emb_norm, token_id):
    # query = emb_norm.index_select(0, token_id.view(-1))
    query = jnp.take(emb_norm, token_id.reshape(-1), axis=0)
    # query = F.normalize(query, p=2, dim=1)
    query = _normalize(query)
    # sims = query @ emb_norm.T
    sims = jnp.matmul(query, emb_norm.T)
    # sims.squeeze(0): torch only squeezes if dim0 == 1
    if sims.shape[0] == 1:
        sims = sims[0]
        top_vals, top_idx = jax.lax.top_k(sims, K)
    else:
        # torch.topk(sims, k, dim=0) -> topk along axis 0, outputs [K, VOCAB]
        tv, ti = jax.lax.top_k(sims.T, K)
        top_vals = tv.T
        top_idx = ti.T
    return (top_idx, top_vals)

if __name__ == "__main__":
    import jax
    _d = setup_inputs()
    print(jax.jit(kernel)(*tuple(_d.values())))

</pallas_src>

<mosaic_0001>
#map = affine_map<(d0, d1) -> (0, 0)>
#map1 = affine_map<(d0, d1) -> (0)>
module attributes {stable_mosaic.version = 14 : i64} {
  func.func @_sc_gather_body(%arg0: i32, %arg1: i32, %arg2: memref<100000x128xf32, #tpu.memory_space<hbm>>, %arg3: memref<1024xi32, #tpu.memory_space<hbm>>, %arg4: memref<1024x128xf32, #tpu.memory_space<hbm>>, %arg5: memref<32xi32, #tpu.memory_space<vmem>>, %arg6: memref<32x128xf32, #tpu.memory_space<vmem>>, %arg7: memref<!tpu.dma_semaphore, #tpu.memory_space<semaphore_mem>>) attributes {dimension_semantics = [#tpu.dimension_semantics<core_parallel>, #tpu.dimension_semantics<subcore_parallel>], iteration_bounds = array<i64: 2, 16>, scalar_prefetch = 0 : i64, scratch_operands = 3 : i64, tpu.core_type = #tpu.core_type<sc_vector_subcore>, window_params = [{transform_indices = #map}, {transform_indices = #map1}, {transform_indices = #map}]} {
    %mul3A = arith.constant 2 : i32
    %mul3A_0 = arith.muli %arg1, %mul3A : i32
    %add3A = arith.addi %mul3A_0, %arg0 : i32
    %mul3A_1 = arith.constant 32 : i32
    %mul3A_2 = arith.muli %add3A, %mul3A_1 : i32
    "tpu.region"() ({
      %run_scoped3A = tpu.sem_alloc : memref<!tpu.dma_semaphore, #tpu.memory_space<semaphore_mem>>
      %dma_start3A_7 = tpu.memref_slice %arg3[%mul3A_2] : memref<1024xi32, #tpu.memory_space<hbm>> -> memref<32xi32, #tpu.memory_space<hbm>>
      %dma_start3A_8 = tpu.memref_slice %arg3[%mul3A_2] : memref<1024xi32, #tpu.memory_space<hbm>> -> memref<32xi32, #tpu.memory_space<hbm>>
      tpu.enqueue_dma source(%dma_start3A_8 : memref<32xi32, #tpu.memory_space<hbm>>) target(%arg5 : memref<32xi32, #tpu.memory_space<vmem>>) target_semaphore(%run_scoped3A : memref<!tpu.dma_semaphore, #tpu.memory_space<semaphore_mem>>)
      %dma_wait3A_9 = tpu.memref_slice %arg3[%mul3A_2] : memref<1024xi32, #tpu.memory_space<hbm>> -> memref<32xi32, #tpu.memory_space<hbm>>
      %dma_wait3A_10 = tpu.memref_slice %arg3[%mul3A_2] : memref<1024xi32, #tpu.memory_space<hbm>> -> memref<32xi32, #tpu.memory_space<hbm>>
      tpu.wait_dma2 semaphore(%run_scoped3A : memref<!tpu.dma_semaphore, #tpu.memory_space<semaphore_mem>>) src(%dma_wait3A_10 : memref<32xi32, #tpu.memory_space<hbm>>) dst(%arg5 : memref<32xi32, #tpu.memory_space<vmem>>)
      tpu.yield
    }) : () -> ()
    %dma_start3A = arith.constant 0 : i32
    %dma_start3A_3 = arith.constant 0 : i32
    %dma_start3A_4 = tpu.memref_slice %arg2[%dma_start3A, %dma_start3A_3] : memref<100000x128xf32, #tpu.memory_space<hbm>> -> memref<100000x128xf32, #tpu.memory_space<hbm>>
    tpu.enqueue_indirect_dma source(%dma_start3A_4 : memref<100000x128xf32, #tpu.memory_space<hbm>>) target(%arg6 : memref<32x128xf32, #tpu.memory_space<vmem>>) offsets(%arg5 : memref<32xi32, #tpu.memory_space<vmem>>) semaphore(%arg7 : memref<!tpu.dma_semaphore, #tpu.memory_space<semaphore_mem>>)
    %dma_wait3A = arith.constant 0 : i32
    %dma_wait3A_5 = arith.constant 0 : i32
    %dma_wait3A_6 = tpu.memref_slice %arg2[%dma_wait3A, %dma_wait3A_5] : memref<100000x128xf32, #tpu.memory_space<hbm>> -> memref<100000x128xf32, #tpu.memory_space<hbm>>
    tpu.wait_indirect_dma semaphore(%arg7 : memref<!tpu.dma_semaphore, #tpu.memory_space<semaphore_mem>>) src(%dma_wait3A_6 : memref<100000x128xf32, #tpu.memory_space<hbm>>) dst(%arg6 : memref<32x128xf32, #tpu.memory_space<vmem>>)
    "tpu.region"() ({
      %run_scoped3A = tpu.sem_alloc : memref<!tpu.dma_semaphore, #tpu.memory_space<semaphore_mem>>
      %dma_start3A_7 = arith.constant 0 : i32
      %dma_start3A_8 = tpu.memref_slice %arg4[%mul3A_2, %dma_start3A_7] : memref<1024x128xf32, #tpu.memory_space<hbm>> -> memref<32x128xf32, #tpu.memory_space<hbm>>
      %dma_start3A_9 = arith.constant 0 : i32
      %dma_start3A_10 = tpu.memref_slice %arg4[%mul3A_2, %dma_start3A_9] : memref<1024x128xf32, #tpu.memory_space<hbm>> -> memref<32x128xf32, #tpu.memory_space<hbm>>
      tpu.enqueue_dma source(%arg6 : memref<32x128xf32, #tpu.memory_space<vmem>>) target(%dma_start3A_10 : memref<32x128xf32, #tpu.memory_space<hbm>>) target_semaphore(%run_scoped3A : memref<!tpu.dma_semaphore, #tpu.memory_space<semaphore_mem>>)
      %dma_wait3A_11 = arith.constant 0 : i32
      %dma_wait3A_12 = tpu.memref_slice %arg4[%mul3A_2, %dma_wait3A_11] : memref<1024x128xf32, #tpu.memory_space<hbm>> -> memref<32x128xf32, #tpu.memory_space<hbm>>
      %dma_wait3A_13 = arith.constant 0 : i32
      %dma_wait3A_14 = tpu.memref_slice %arg4[%mul3A_2, %dma_wait3A_13] : memref<1024x128xf32, #tpu.memory_space<hbm>> -> memref<32x128xf32, #tpu.memory_space<hbm>>
      tpu.wait_dma2 semaphore(%run_scoped3A : memref<!tpu.dma_semaphore, #tpu.memory_space<semaphore_mem>>) src(%arg6 : memref<32x128xf32, #tpu.memory_space<vmem>>) dst(%dma_wait3A_14 : memref<32x128xf32, #tpu.memory_space<hbm>>)
      tpu.yield
    }) : () -> ()
    return
  }
}

module attributes {stable_mosaic.version = 14 : i64} {
  func.func @_tc_body(%arg0: i32, %arg1: memref<1024x128xf32, #tpu.memory_space<vmem>>, %arg2: memref<4096x128xf32, #tpu.memory_space<vmem>>, %arg3: memref<5x4096xf32, #tpu.memory_space<vmem>>, %arg4: memref<5x4096xi32, #tpu.memory_space<vmem>>, %arg5: memref<1024x128xf32, #tpu.memory_space<vmem>>) attributes {dimension_semantics = [#tpu.dimension_semantics<arbitrary>], iteration_bounds = array<i64: 25>, scalar_prefetch = 0 : i64, scratch_operands = 1 : i64, tpu.core_type = #tpu.core_type<tc>, window_params = [{pipeline_mode = #tpu.pipeline_mode<synchronous>, transform_indices = @transform_0, window_bounds = array<i64: 1024, 128>}, {transform_indices = @transform_1, window_bounds = array<i64: 4096, 128>}, {transform_indices = @transform_2, window_bounds = array<i64: 5, 4096>}, {transform_indices = @transform_3, window_bounds = array<i64: 5, 4096>}]} {
    %eq3A = arith.constant 0 : i32
    %eq3A_0 = arith.cmpi eq, %arg0, %eq3A : i32
    %convert_element_type3A = arith.extui %eq3A_0 : i1 to i32
    %cond3A = arith.constant 0 : i32
    %cond3A_1 = arith.cmpi ne, %convert_element_type3A, %cond3A : i32
    scf.if %cond3A_1 {
      %get3A_150 = arith.constant 0 : index
      %get3A_151 = arith.constant 0 : index
      %get3A_152 = vector.load %arg1[%get3A_150, %get3A_151] : memref<1024x128xf32, #tpu.memory_space<vmem>>, vector<1024x128xf32>
      %mul3A = arith.mulf %get3A_152, %get3A_152 : vector<1024x128xf32>
      %reduce_sum3A = arith.constant dense<0.000000e+00> : vector<1024xf32>
      %reduce_sum3A_153 = vector.multi_reduction <add>, %mul3A, %reduce_sum3A [1] : vector<1024x128xf32> to vector<1024xf32>
      %broadcast_in_dim3A_154 = vector.shape_cast %reduce_sum3A_153 : vector<1024xf32> to vector<1024x1xf32>
      %sqrt3A = math.sqrt %broadcast_in_dim3A_154 : vector<1024x1xf32>
      %max3A = arith.constant 9.99999996E-13 : f32
      %max3A_155 = vector.broadcast %max3A : f32 to vector<1024x1xf32>
      %max3A_156 = arith.maximumf %sqrt3A, %max3A_155 : vector<1024x1xf32>
      %div3A = vector.broadcast %max3A_156 : vector<1024x1xf32> to vector<1024x128xf32>
      %div3A_157 = arith.divf %get3A_152, %div3A : vector<1024x128xf32>
      %swap3A_158 = arith.constant 0 : index
      %swap3A_159 = arith.constant 0 : index
      %swap3A_160 = vector.load %arg5[%swap3A_158, %swap3A_159] : memref<1024x128xf32, #tpu.memory_space<vmem>>, vector<1024x128xf32>
      tpu.vector_store %arg5[%swap3A_158, %swap3A_159], %div3A_157 {strides = array<i32>} : memref<1024x128xf32, #tpu.memory_space<vmem>>, vector<1024x128xf32>,
    } else {
    }
    %get3A = arith.constant 0 : index
    %get3A_2 = arith.constant 0 : index
    %get3A_3 = vector.load %arg5[%get3A, %get3A_2] : memref<1024x128xf32, #tpu.memory_space<vmem>>, vector<1024x128xf32>
    %get3A_4 = arith.constant 0 : index
    %get3A_5 = arith.constant 0 : index
    %get3A_6 = vector.load %arg2[%get3A_4, %get3A_5] : memref<4096x128xf32, #tpu.memory_space<vmem>>, vector<4096x128xf32>
    %dot_general3A = arith.constant dense<0.000000e+00> : vector<1024x4096xf32>
    %dot_general3A_7 = tpu.matmul %get3A_3, %get3A_6, %dot_general3A {dimension_numbers = #tpu.dot_dimension_numbers<[1], [1], [0], [0], [0, 0, 1, 0], [], []>, transpose_lhs_hint = false} : vector<1024x128xf32>, vector<4096x128xf32>, vector<1024x4096xf32> -> vector<1024x4096xf32>
    %iota3A = tpu.iota {dimensions = array<i32: 0>} : vector<1024x4096xi32>
    %sub3A = arith.constant 1023 : i32
    %sub3A_8 = vector.broadcast %sub3A : i32 to vector<1024x4096xi32>
    %sub3A_9 = arith.subi %sub3A_8, %iota3A : vector<1024x4096xi32>
    %convert_element_type3A_10 = arith.sitofp %sub3A_9 : vector<1024x4096xi32> to vector<1024x4096xf32>
    %reduce_max3A = arith.constant dense<0xFF800000> : vector<4096xf32>
    %reduce_max3A_11 = vector.multi_reduction <maximumf>, %dot_general3A_7, %reduce_max3A [0] : vector<1024x4096xf32> to vector<4096xf32>
    %broadcast_in_dim3A = vector.shape_cast %reduce_max3A_11 : vector<4096xf32> to vector<1x4096xf32>
    %eq3A_12 = vector.broadcast %broadcast_in_dim3A : vector<1x4096xf32> to vector<1024x4096xf32>
    %eq3A_13 = arith.cmpf oeq, %dot_general3A_7, %eq3A_12 : vector<1024x4096xf32>
    %jit3A = arith.constant -1.000000e+00 : f32
    %broadcast_in_dim3A_14 = vector.broadcast %jit3A : f32 to vector<1024x4096xf32>
    %select_n3A = arith.select %eq3A_13, %convert_element_type3A_10, %broadcast_in_dim3A_14 : vector<1024x4096xi1>, vector<1024x4096xf32>
    %reduce_max3A_15 = arith.constant dense<0xFF800000> : vector<4096xf32>
    %reduce_max3A_16 = vector.multi_reduction <maximumf>, %select_n3A, %reduce_max3A_15 [0] : vector<1024x4096xf32> to vector<4096xf32>
    %swap3A = arith.constant 0 : index
    %swap3A_17 = arith.constant 0 : index
    %swap3A_18 = vector.load %arg3[%swap3A, %swap3A_17] : memref<5x4096xf32, #tpu.memory_space<vmem>>, vector<1x4096xf32>
    %swap3A_19 = vector.shape_cast %swap3A_18 : vector<1x4096xf32> to vector<4096xf32>
    %swap3A_20 = vector.shape_cast %reduce_max3A_11 : vector<4096xf32> to vector<1x4096xf32>
    tpu.vector_store %arg3[%swap3A, %swap3A_17], %swap3A_20 {strides = array<i32>} : memref<5x4096xf32, #tpu.memory_space<vmem>>, vector<1x4096xf32>,
    %sub3A_21 = arith.constant 1.023000e+03 : f32
    %sub3A_22 = vector.broadcast %sub3A_21 : f32 to vector<4096xf32>
    %sub3A_23 = arith.subf %sub3A_22, %reduce_max3A_16 : vector<4096xf32>
    %convert_element_type3A_24 = arith.fptosi %sub3A_23 : vector<4096xf32> to vector<4096xi32>
    %swap3A_25 = arith.constant 0 : index
    %swap3A_26 = arith.constant 0 : index
    %swap3A_27 = vector.load %arg4[%swap3A_25, %swap3A_26] : memref<5x4096xi32, #tpu.memory_space<vmem>>, vector<1x4096xi32>
    %swap3A_28 = vector.shape_cast %swap3A_27 : vector<1x4096xi32> to vector<4096xi32>
    %swap3A_29 = vector.shape_cast %convert_element_type3A_24 : vector<4096xi32> to vector<1x4096xi32>
    tpu.vector_store %arg4[%swap3A_25, %swap3A_26], %swap3A_29 {strides = array<i32>} : memref<5x4096xi32, #tpu.memory_space<vmem>>, vector<1x4096xi32>,
    %broadcast_in_dim3A_30 = vector.shape_cast %reduce_max3A_16 : vector<4096xf32> to vector<1x4096xf32>
    %eq3A_31 = vector.broadcast %broadcast_in_dim3A_30 : vector<1x4096xf32> to vector<1024x4096xf32>
    %eq3A_32 = arith.cmpf oeq, %convert_element_type3A_10, %eq3A_31 : vector<1024x4096xf32>
    %jit3A_33 = arith.constant 0xFF800000 : f32
    %broadcast_in_dim3A_34 = vector.broadcast %jit3A_33 : f32 to vector<1024x4096xf32>
    %select_n3A_35 = arith.select %eq3A_32, %broadcast_in_dim3A_34, %dot_general3A_7 : vector<1024x4096xi1>, vector<1024x4096xf32>
    %reduce_max3A_36 = arith.constant dense<0xFF800000> : vector<4096xf32>
    %reduce_max3A_37 = vector.multi_reduction <maximumf>, %select_n3A_35, %reduce_max3A_36 [0] : vector<1024x4096xf32> to vector<4096xf32>
    %broadcast_in_dim3A_38 = vector.shape_cast %reduce_max3A_37 : vector<4096xf32> to vector<1x4096xf32>
    %eq3A_39 = vector.broadcast %broadcast_in_dim3A_38 : vector<1x4096xf32> to vector<1024x4096xf32>
    %eq3A_40 = arith.cmpf oeq, %select_n3A_35, %eq3A_39 : vector<1024x4096xf32>
    %jit3A_41 = arith.constant -1.000000e+00 : f32
    %broadcast_in_dim3A_42 = vector.broadcast %jit3A_41 : f32 to vector<1024x4096xf32>
    %select_n3A_43 = arith.select %eq3A_40, %convert_element_type3A_10, %broadcast_in_dim3A_42 : vector<1024x4096xi1>, vector<1024x4096xf32>
    %reduce_max3A_44 = arith.constant dense<0xFF800000> : vector<4096xf32>
    %reduce_max3A_45 = vector.multi_reduction <maximumf>, %select_n3A_43, %reduce_max3A_44 [0] : vector<1024x4096xf32> to vector<4096xf32>
    %swap3A_46 = arith.constant 1 : index
    %swap3A_47 = arith.constant 0 : index
    %swap3A_48 = vector.load %arg3[%swap3A_46, %swap3A_47] : memref<5x4096xf32, #tpu.memory_space<vmem>>, vector<1x4096xf32>
    %swap3A_49 = vector.shape_cast %swap3A_48 : vector<1x4096xf32> to vector<4096xf32>
    %swap3A_50 = vector.shape_cast %reduce_max3A_37 : vector<4096xf32> to vector<1x4096xf32>
    tpu.vector_store %arg3[%swap3A_46, %swap3A_47], %swap3A_50 {strides = array<i32>} : memref<5x4096xf32, #tpu.memory_space<vmem>>, vector<1x4096xf32>,
    %sub3A_51 = arith.constant 1.023000e+03 : f32
    %sub3A_52 = vector.broadcast %sub3A_51 : f32 to vector<4096xf32>
    %sub3A_53 = arith.subf %sub3A_52, %reduce_max3A_45 : vector<4096xf32>
    %convert_element_type3A_54 = arith.fptosi %sub3A_53 : vector<4096xf32> to vector<4096xi32>
    %swap3A_55 = arith.constant 1 : index
    %swap3A_56 = arith.constant 0 : index
    %swap3A_57 = vector.load %arg4[%swap3A_55, %swap3A_56] : memref<5x4096xi32, #tpu.memory_space<vmem>>, vector<1x4096xi32>
    %swap3A_58 = vector.shape_cast %swap3A_57 : vector<1x4096xi32> to vector<4096xi32>
    %swap3A_59 = vector.shape_cast %convert_element_type3A_54 : vector<4096xi32> to vector<1x4096xi32>
    tpu.vector_store %arg4[%swap3A_55, %swap3A_56], %swap3A_59 {strides = array<i32>} : memref<5x4096xi32, #tpu.memory_space<vmem>>, vector<1x4096xi32>,
    %broadcast_in_dim3A_60 = vector.shape_cast %reduce_max3A_45 : vector<4096xf32> to vector<1x4096xf32>
    %eq3A_61 = vector.broadcast %broadcast_in_dim3A_60 : vector<1x4096xf32> to vector<1024x4096xf32>
    %eq3A_62 = arith.cmpf oeq, %convert_element_type3A_10, %eq3A_61 : vector<1024x4096xf32>
    %jit3A_63 = arith.constant 0xFF800000 : f32
    %broadcast_in_dim3A_64 = vector.broadcast %jit3A_63 : f32 to vector<1024x4096xf32>
    %select_n3A_65 = arith.select %eq3A_62, %broadcast_in_dim3A_64, %select_n3A_35 : vector<1024x4096xi1>, vector<1024x4096xf32>
    %reduce_max3A_66 = arith.constant dense<0xFF800000> : vector<4096xf32>
    %reduce_max3A_67 = vector.multi_reduction <maximumf>, %select_n3A_65, %reduce_max3A_66 [0] : vector<1024x4096xf32> to vector<4096xf32>
    %broadcast_in_dim3A_68 = vector.shape_cast %reduce_max3A_67 : vector<4096xf32> to vector<1x4096xf32>
    %eq3A_69 = vector.broadcast %broadcast_in_dim3A_68 : vector<1x4096xf32> to vector<1024x4096xf32>
    %eq3A_70 = arith.cmpf oeq, %select_n3A_65, %eq3A_69 : vector<1024x4096xf32>
    %jit3A_71 = arith.constant -1.000000e+00 : f32
    %broadcast_in_dim3A_72 = vector.broadcast %jit3A_71 : f32 to vector<1024x4096xf32>
    %select_n3A_73 = arith.select %eq3A_70, %convert_element_type3A_10, %broadcast_in_dim3A_72 : vector<1024x4096xi1>, vector<1024x4096xf32>
    %reduce_max3A_74 = arith.constant dense<0xFF800000> : vector<4096xf32>
    %reduce_max3A_75 = vector.multi_reduction <maximumf>, %select_n3A_73, %reduce_max3A_74 [0] : vector<1024x4096xf32> to vector<4096xf32>
    %swap3A_76 = arith.constant 2 : index
    %swap3A_77 = arith.constant 0 : index
    %swap3A_78 = vector.load %arg3[%swap3A_76, %swap3A_77] : memref<5x4096xf32, #tpu.memory_space<vmem>>, vector<1x4096xf32>
    %swap3A_79 = vector.shape_cast %swap3A_78 : vector<1x4096xf32> to vector<4096xf32>
    %swap3A_80 = vector.shape_cast %reduce_max3A_67 : vector<4096xf32> to vector<1x4096xf32>
    tpu.vector_store %arg3[%swap3A_76, %swap3A_77], %swap3A_80 {strides = array<i32>} : memref<5x4096xf32, #tpu.memory_space<vmem>>, vector<1x4096xf32>,
    %sub3A_81 = arith.constant 1.023000e+03 : f32
    %sub3A_82 = vector.broadcast %sub3A_81 : f32 to vector<4096xf32>
    %sub3A_83 = arith.subf %sub3A_82, %reduce_max3A_75 : vector<4096xf32>
    %convert_element_type3A_84 = arith.fptosi %sub3A_83 : vector<4096xf32> to vector<4096xi32>
    %swap3A_85 = arith.constant 2 : index
    %swap3A_86 = arith.constant 0 : index
    %swap3A_87 = vector.load %arg4[%swap3A_85, %swap3A_86] : memref<5x4096xi32, #tpu.memory_space<vmem>>, vector<1x4096xi32>
    %swap3A_88 = vector.shape_cast %swap3A_87 : vector<1x4096xi32> to vector<4096xi32>
    %swap3A_89 = vector.shape_cast %convert_element_type3A_84 : vector<4096xi32> to vector<1x4096xi32>
    tpu.vector_store %arg4[%swap3A_85, %swap3A_86], %swap3A_89 {strides = array<i32>} : memref<5x4096xi32, #tpu.memory_space<vmem>>, vector<1x4096xi32>,
    %broadcast_in_dim3A_90 = vector.shape_cast %reduce_max3A_75 : vector<4096xf32> to vector<1x4096xf32>
    %eq3A_91 = vector.broadcast %broadcast_in_dim3A_90 : vector<1x4096xf32> to vector<1024x4096xf32>
    %eq3A_92 = arith.cmpf oeq, %convert_element_type3A_10, %eq3A_91 : vector<1024x4096xf32>
    %jit3A_93 = arith.constant 0xFF800000 : f32
    %broadcast_in_dim3A_94 = vector.broadcast %jit3A_93 : f32 to vector<1024x4096xf32>
    %select_n3A_95 = arith.select %eq3A_92, %broadcast_in_dim3A_94, %select_n3A_65 : vector<1024x4096xi1>, vector<1024x4096xf32>
    %reduce_max3A_96 = arith.constant dense<0xFF800000> : vector<4096xf32>
    %reduce_max3A_97 = vector.multi_reduction <maximumf>, %select_n3A_95, %reduce_max3A_96 [0] : vector<1024x4096xf32> to vector<4096xf32>
    %broadcast_in_dim3A_98 = vector.shape_cast %reduce_max3A_97 : vector<4096xf32> to vector<1x4096xf32>
    %eq3A_99 = vector.broadcast %broadcast_in_dim3A_98 : vector<1x4096xf32> to vector<1024x4096xf32>
    %eq3A_100 = arith.cmpf oeq, %select_n3A_95, %eq3A_99 : vector<1024x4096xf32>
    %jit3A_101 = arith.constant -1.000000e+00 : f32
    %broadcast_in_dim3A_102 = vector.broadcast %jit3A_101 : f32 to vector<1024x4096xf32>
    %select_n3A_103 = arith.select %eq3A_100, %convert_element_type3A_10, %broadcast_in_dim3A_102 : vector<1024x4096xi1>, vector<1024x4096xf32>
    %reduce_max3A_104 = arith.constant dense<0xFF800000> : vector<4096xf32>
    %reduce_max3A_105 = vector.multi_reduction <maximumf>, %select_n3A_103, %reduce_max3A_104 [0] : vector<1024x4096xf32> to vector<4096xf32>
    %swap3A_106 = arith.constant 3 : index
    %swap3A_107 = arith.constant 0 : index
    %swap3A_108 = vector.load %arg3[%swap3A_106, %swap3A_107] : memref<5x4096xf32, #tpu.memory_space<vmem>>, vector<1x4096xf32>
    %swap3A_109 = vector.shape_cast %swap3A_108 : vector<1x4096xf32> to vector<4096xf32>
    %swap3A_110 = vector.shape_cast %reduce_max3A_97 : vector<4096xf32> to vector<1x4096xf32>
    tpu.vector_store %arg3[%swap3A_106, %swap3A_107], %swap3A_110 {strides = array<i32>} : memref<5x4096xf32, #tpu.memory_space<vmem>>, vector<1x4096xf32>,
    %sub3A_111 = arith.constant 1.023000e+03 : f32
    %sub3A_112 = vector.broadcast %sub3A_111 : f32 to vector<4096xf32>
    %sub3A_113 = arith.subf %sub3A_112, %reduce_max3A_105 : vector<4096xf32>
    %convert_element_type3A_114 = arith.fptosi %sub3A_113 : vector<4096xf32> to vector<4096xi32>
    %swap3A_115 = arith.constant 3 : index
    %swap3A_116 = arith.constant 0 : index
    %swap3A_117 = vector.load %arg4[%swap3A_115, %swap3A_116] : memref<5x4096xi32, #tpu.memory_space<vmem>>, vector<1x4096xi32>
    %swap3A_118 = vector.shape_cast %swap3A_117 : vector<1x4096xi32> to vector<4096xi32>
    %swap3A_119 = vector.shape_cast %convert_element_type3A_114 : vector<4096xi32> to vector<1x4096xi32>
    tpu.vector_store %arg4[%swap3A_115, %swap3A_116], %swap3A_119 {strides = array<i32>} : memref<5x4096xi32, #tpu.memory_space<vmem>>, vector<1x4096xi32>,
    %broadcast_in_dim3A_120 = vector.shape_cast %reduce_max3A_105 : vector<4096xf32> to vector<1x4096xf32>
    %eq3A_121 = vector.broadcast %broadcast_in_dim3A_120 : vector<1x4096xf32> to vector<1024x4096xf32>
    %eq3A_122 = arith.cmpf oeq, %convert_element_type3A_10, %eq3A_121 : vector<1024x4096xf32>
    %jit3A_123 = arith.constant 0xFF800000 : f32
    %broadcast_in_dim3A_124 = vector.broadcast %jit3A_123 : f32 to vector<1024x4096xf32>
    %select_n3A_125 = arith.select %eq3A_122, %broadcast_in_dim3A_124, %select_n3A_95 : vector<1024x4096xi1>, vector<1024x4096xf32>
    %reduce_max3A_126 = arith.constant dense<0xFF800000> : vector<4096xf32>
    %reduce_max3A_127 = vector.multi_reduction <maximumf>, %select_n3A_125, %reduce_max3A_126 [0] : vector<1024x4096xf32> to vector<4096xf32>
    %broadcast_in_dim3A_128 = vector.shape_cast %reduce_max3A_127 : vector<4096xf32> to vector<1x4096xf32>
    %eq3A_129 = vector.broadcast %broadcast_in_dim3A_128 : vector<1x4096xf32> to vector<1024x4096xf32>
    %eq3A_130 = arith.cmpf oeq, %select_n3A_125, %eq3A_129 : vector<1024x4096xf32>
    %jit3A_131 = arith.constant -1.000000e+00 : f32
    %broadcast_in_dim3A_132 = vector.broadcast %jit3A_131 : f32 to vector<1024x4096xf32>
    %select_n3A_133 = arith.select %eq3A_130, %convert_element_type3A_10, %broadcast_in_dim3A_132 : vector<1024x4096xi1>, vector<1024x4096xf32>
    %reduce_max3A_134 = arith.constant dense<0xFF800000> : vector<4096xf32>
    %reduce_max3A_135 = vector.multi_reduction <maximumf>, %select_n3A_133, %reduce_max3A_134 [0] : vector<1024x4096xf32> to vector<4096xf32>
    %swap3A_136 = arith.constant 4 : index
    %swap3A_137 = arith.constant 0 : index
    %swap3A_138 = vector.load %arg3[%swap3A_136, %swap3A_137] : memref<5x4096xf32, #tpu.memory_space<vmem>>, vector<1x4096xf32>
    %swap3A_139 = vector.shape_cast %swap3A_138 : vector<1x4096xf32> to vector<4096xf32>
    %swap3A_140 = vector.shape_cast %reduce_max3A_127 : vector<4096xf32> to vector<1x4096xf32>
    tpu.vector_store %arg3[%swap3A_136, %swap3A_137], %swap3A_140 {strides = array<i32>} : memref<5x4096xf32, #tpu.memory_space<vmem>>, vector<1x4096xf32>,
    %sub3A_141 = arith.constant 1.023000e+03 : f32
    %sub3A_142 = vector.broadcast %sub3A_141 : f32 to vector<4096xf32>
    %sub3A_143 = arith.subf %sub3A_142, %reduce_max3A_135 : vector<4096xf32>
    %convert_element_type3A_144 = arith.fptosi %sub3A_143 : vector<4096xf32> to vector<4096xi32>
    %swap3A_145 = arith.constant 4 : index
    %swap3A_146 = arith.constant 0 : index
    %swap3A_147 = vector.load %arg4[%swap3A_145, %swap3A_146] : memref<5x4096xi32, #tpu.memory_space<vmem>>, vector<1x4096xi32>
    %swap3A_148 = vector.shape_cast %swap3A_147 : vector<1x4096xi32> to vector<4096xi32>
    %swap3A_149 = vector.shape_cast %convert_element_type3A_144 : vector<4096xi32> to vector<1x4096xi32>
    tpu.vector_store %arg4[%swap3A_145, %swap3A_146], %swap3A_149 {strides = array<i32>} : memref<5x4096xi32, #tpu.memory_space<vmem>>, vector<1x4096xi32>,
    return
  }
  func.func @transform_0(%arg0: i32) -> (i32, i32) {
    %c0_i32 = arith.constant 0 : i32
    %c0_i32_0 = arith.constant 0 : i32
    %c0_i32_1 = arith.constant 0 : i32
    return %c0_i32, %c0_i32_0 : i32, i32
  }
  func.func @transform_1(%arg0: i32) -> (i32, i32) {
    %c0_i32 = arith.constant 0 : i32
    %c0_i32_0 = arith.constant 0 : i32
    return %arg0, %c0_i32 : i32, i32
  }
  func.func @transform_2(%arg0: i32) -> (i32, i32) {
    %c0_i32 = arith.constant 0 : i32
    %c0_i32_0 = arith.constant 0 : i32
    return %c0_i32, %arg0 : i32, i32
  }
  func.func @transform_3(%arg0: i32) -> (i32, i32) {
    %c0_i32 = arith.constant 0 : i32
    %c0_i32_0 = arith.constant 0 : i32
    return %c0_i32, %arg0 : i32, i32
  }
}

</mosaic_0001>

<sc_bundles>
// kernel: kernel.4.cloned.1.call-start
scs
__scs_entry_jumppad:
0x0: {  	(pc) =	sbr.rel $0x88, $3  }
0x1: {  	(tag) =	ssettag $0x0;
	lr =	simm.s32 $0x1  }
0x2: {  	[smem:$0x3F9F] =	sst lr;
	_ =	strace $0xD0000000  }
0x3: {  	_ = 	snop  }
0x4: {  	_ = 	snop  }
0x5: {  	_ = 	snop  }
0x6: {  	_ = 	snop  }
0x7: {  	_ = 	snop  }
__scs_overlays_trampoline_lowered:
0x8: {  	[smem:$0x3FAE] =	sst s0  }
0x9: {  	[smem:$0x3FAF] =	sst s1  }
0xa: {  	[smem:$0x3FB0] =	sst s2  }
0xb: {  	[smem:$0x3FB1] =	sst s3  }
0xc: {  	[smem:$0x3FB2] =	sst s4  }
0xd: {  	[smem:$0x3FB3] =	sst s5  }
0xe: {  	[smem:$0x3FB4] =	sst s6  }
0xf: {  	[smem:$0x3FB5] =	sst s7  }
0x10: {  	[smem:$0x3FB6] =	sst s8  }
0x11: {  	[smem:$0x3FB7] =	sst s9;
	s0 =	simm.s32 @!p0 $0x0  }
0x12: {  	s1 =	sld [smem:$0x3F9D];
	s0 =	simm.s32 @p0 $0x1  }
0x13: {  	[smem:$0x3FB8] =	sst s0;
	s0 =	simm.s32 @!p1 $0x0  }
0x14: {  	s2 =	sld [smem:$0x3F9C];
	s0 =	simm.s32 @p1 $0x1  }
0x15: {  	[smem:$0x3FB9] =	sst s0;
	s0 =	simm.s32 @!p2 $0x0  }
0x16: {  	s3 =	sld [smem:$0x3FDB];
	s0 =	simm.s32 @p2 $0x1  }
0x17: {  	s4 =	simm.s32 $0x1BF5;
	[smem:$0x3FBB] =	sst s0  }
0x18: {  	s0 =	sld [smem:$0x3F9E];
	_ =	swait.ge [sflag:s4], $0x0  }
0x19: {  	s7 =	sld [smem:$0x3F9F]  }
0x1a: {  	s8 =	sadd.s32 $0xFFFFE003, lr  }
0x1b: {  	s9 =	sadd.s32 $0xFFFFFEF7, lr;
	s5 =	simm.s32 $0xFFFFFFFF;
	p2 =	slt.u32 s8, $0xFFFFF086  }
0x1c: {  	p1 =	slt.u32 s9, $0xF7A;
	s5 =	simm.s32 @!p2 $0x0  }
0x1d: {  	s5 =	simm.s32 @p1 $0x1;
	p0 =	seq.s32 s7, s2  }
0x1e: {  	s7 =	smul.u32 @!p0 $0xF7A, s2;
	p2 =	seq.s32 @!p0 s5, $0x0  }
0x1f: {  	s9 =	smul.u32 $0xF7A, s1;
	s8 =	simm.s32 @!p0 $0x1BF5;
	p2 =	por !p2, p0  }
0x20: {  	[sflag:s8] =	ssyncset.s32 @!p0 $0xFFFFF086;
	s6 =	sadd.s32 @!p0 s3, s7;
	s7 =	simm.s32 @!p0 $0x108  }
0x21: {  	s3 =	sadd.s32 s3, s9;
	s6 =	sadd.s32 @!p0 $0x88, s6;
	s7 =	simm.s32 @p2 $0x1082  }
0x22: {  	[simem:s7], [sflag:s8] =	dma.local @!p0 [hbm:s6], $0xF7A  }
0x23: {  	s9 =	sor.u32 $0xD0000000, s2;
	s6 =	simm.s32 $0x108;
	_ =	swait.ge @!p0 [sflag:s8], $0x0  }
0x24: {  	s3 =	sadd.s32 $0x88, s3;
	s6 =	simm.s32 @!p1 $0x1082;
	[sflag:s4] =	ssyncset.s32 $0xFFFFF086  }
0x25: {  	[simem:s6], [sflag:s4] =	dma.local [hbm:s3], $0xF7A  }
0x26: {  	[smem:$0x3F9F] =	sst s1;
	(tag) =	ssettag s2;
	_ =	strace s9  }
0x27: {  	s1 =	sld [smem:$0x3FAF]  }
0x28: {  	s2 =	sld [smem:$0x3FB0]  }
0x29: {  	s4 =	sld [smem:$0x3FB2]  }
0x2a: {  	p0 =	seq.s32 s5, $0x0;
	s5 =	sld [smem:$0x3FB3]  }
0x2b: {  	s6 =	sld [smem:$0x3FB4]  }
0x2c: {  	s7 =	sld [smem:$0x3FB5]  }
0x2d: {  	s3 =	simm.s32 $0x108;
	s8 =	sld [smem:$0x3FB6]  }
0x2e: {  	s3 =	simm.s32 @!p0 $0x1082;
	s9 =	sld [smem:$0x3FB7]  }
0x2f: {  	lr =	sadd.s32 s0, s3;
	s0 =	sld [smem:$0x3FAE]  }
0x30: {  	s3 =	sld [smem:$0x3FB1]  }
0x31: {  	[smem:$0x3FBA] =	sst s10  }
0x32: {  	s10 =	sld [smem:$0x3FB8];
	_ =	sdelay $0x3  }
0x33: {  	p0 =	seq.s32 s10, $0x1;
	s10 =	sld [smem:$0x3FBA];
	_ =	sdelay $0x3  }
0x34: {  	[smem:$0x3FBA] =	sst s10  }
0x35: {  	s10 =	sld [smem:$0x3FB9];
	_ =	sdelay $0x3  }
0x36: {  	p1 =	seq.s32 s10, $0x1;
	s10 =	sld [smem:$0x3FBA];
	_ =	sdelay $0x3  }
0x37: {  	[smem:$0x3FBA] =	sst s10  }
0x38: {  	s10 =	sld [smem:$0x3FBB]  }
0x39: {  	_ = 	snop;
	(pc) =	sbr.ind lr, $3  }
0x3a: {  	_ = 	snop  }
0x3b: {  	_ = 	snop  }
0x3c: {  	p2 =	seq.s32 s10, $0x1;
	s10 =	sld [smem:$0x3FBA]  }
0x3d: {  	_ =	shalt  }
0x3e: {  	_ =	shalt  }
0x3f: {  	_ =	shalt  }
0x40: {  	_ =	shalt  }
0x41: {  	_ =	shalt  }
0x42: {  	_ =	shalt  }
0x43: {  	_ =	shalt  }
0x44: {  	_ =	shalt  }
0x45: {  	_ =	shalt  }
0x46: {  	_ =	shalt  }
0x47: {  	_ =	shalt  }
0x48: {  	_ =	shalt  }
0x49: {  	_ =	shalt  }
0x4a: {  	_ =	shalt  }
0x4b: {  	_ =	shalt  }
0x4c: {  	_ =	shalt  }
0x4d: {  	_ =	shalt  }
0x4e: {  	_ =	shalt  }
0x4f: {  	_ =	shalt  }
0x50: {  	_ =	shalt  }
0x51: {  	_ =	shalt  }
0x52: {  	_ =	shalt  }
0x53: {  	_ =	shalt  }
0x54: {  	_ =	shalt  }
0x55: {  	_ =	shalt  }
0x56: {  	_ =	shalt  }
0x57: {  	_ =	shalt  }
0x58: {  	_ =	shalt  }
0x59: {  	_ =	shalt  }
0x5a: {  	_ =	shalt  }
0x5b: {  	_ =	shalt  }
0x5c: {  	_ =	shalt  }
0x5d: {  	_ =	shalt  }
0x5e: {  	_ =	shalt  }
0x5f: {  	_ =	shalt  }
0x60: {  	_ =	shalt  }
0x61: {  	_ =	shalt  }
0x62: {  	_ =	shalt  }
0x63: {  	_ =	shalt  }
0x64: {  	_ =	shalt  }
0x65: {  	_ =	shalt  }
0x66: {  	_ =	shalt  }
0x67: {  	_ =	shalt  }
0x68: {  	_ =	shalt  }
0x69: {  	_ =	shalt  }
0x6a: {  	_ =	shalt  }
0x6b: {  	_ =	shalt  }
0x6c: {  	_ =	shalt  }
0x6d: {  	_ =	shalt  }
0x6e: {  	_ =	shalt  }
0x6f: {  	_ =	shalt  }
0x70: {  	_ =	shalt  }
0x71: {  	_ =	shalt  }
0x72: {  	_ =	shalt  }
0x73: {  	_ =	shalt  }
0x74: {  	_ =	shalt  }
0x75: {  	_ =	shalt  }
0x76: {  	_ =	shalt  }
0x77: {  	_ =	shalt  }
0x78: {  	_ =	shalt  }
0x79: {  	_ =	shalt  }
0x7a: {  	_ =	shalt  }
0x7b: {  	_ =	shalt  }
0x7c: {  	_ =	shalt  }
0x7d: {  	_ =	shalt  }
0x7e: {  	_ =	shalt  }
0x7f: {  	_ =	shalt  }
0x80: {  	_ =	shalt  }
0x81: {  	_ =	shalt  }
0x82: {  	_ =	shalt  }
0x83: {  	_ =	shalt  }
0x84: {  	_ =	shalt  }
0x85: {  	_ =	shalt  }
0x86: {  	_ =	shalt  }
0x87: {  	_ =	shalt  }
.Lfunc_end0:
.L_simem_size_0:
called_computation_lowered:
.L_overlay_start_0:
0x88: {  	s2 =	sld [smem:$0x3FD9]  }
0x89: {  	s3 =	sld [smem:$0x3FFE];
	_ =	sdelay $0x1  }
0x8a: {  	s1 =	srdreg.scid  }
0x8b: {  	s0 =	sand.u32 $0x1, s1  }
0x8c: {  	s15 =	sshll.u32 s0, $0xA;
	s2 =	sadd.s32 s3, s2  }
0x8d: {  	s2 =	sadd.s32 s2, s15  }
0x8e: {  	[smem:$0x3FC6] =	sst s2  }
0x8f: {  	_ = 	snop  }
0x90: {  	s2 =	sld [smem:$0x3FD0];
	_ =	sdelay $0x1  }
0x91: {  	s16 =	sld [smem:$0x3FC9]  }
0x92: {  	s5 =	simm.s32 $0xA;
	s6 =	simm.s32 $0x10;
	s4 =	sld [smem:$0x3FC8]  }
0x93: {  	[smem:s6], [sflag:s5] =	dma.local [hbm:s2], $0x1  }
0x94: {  	_ =	swait.eq [sflag:s5], $0x1  }
0x95: {  	[sflag:s5] =	ssyncset.done $0x0  }
0x96: {  	[sflag:s5] =	ssyncadd.s32 $0xFFFFFFFF  }
0x97: {  	s17 =	sld [smem:$0x10];
	(tm) =	ssettm $0x1  }
0x98: {  	s18 =	sld [smem:$0x3FFB];
	_ =	sdelay $0x3  }
0x99: {  	_ =	strace s18  }
0x9a: {  	s5 =	sld [smem:$0x3FFC];
	_ =	sdelay $0x3  }
0x9b: {  	_ =	strace s5  }
0x9c: {  	s5 =	sld [smem:$0x3FFD];
	_ =	sdelay $0x3  }
0x9d: {  	_ =	strace s5  }
0x9e: {  	_ =	strace $0x8FFFFFFF  }
0x9f: {  	s19 =	sld [smem:$0x3FDB];
	_ =	sdelay $0x1  }
0xa0: {  	s20 =	simm.s32 $_scs_section_size  }
0xa1: {  	s7 =	simm.s32 $_size__tile_overlayer_lowered;
	s8 =	simm.s32 $_tile_overlayer_lowered  }
0xa2: {  	s23 =	simm.s32 $0x1BFF;
	s22 =	sshll.u32 s8, $0x1;
	s5 =	sadd.s32 s20, s19  }
0xa3: {  	s9 =	simm.s32 $0x0;
	s21 =	sshll.u32 s7, $0x1;
	s7 =	sadd.s32 s22, s5  }
0xa4: {  	[timem:s9], [sflag:s23] =	dma.local [hbm:s7], s21  }
0xa5: {  	_ =	swait.ge [sflag:s23], s21  }
0xa6: {  	s6 =	ssub.s32 $0x0, s21;
	[sflag:s23] =	ssyncset.done $0x0  }
0xa7: {  	[sflag:s23] =	ssyncadd.s32 s6;
	_ =	sdelay $0x1  }
0xa8: {  	s24 =	simm.s32 $0x1B8B  }
0xa9: {  	_ =	swait.ge [sflag:s24], $0x1  }
0xaa: {  	[sflag:s24] =	ssyncset.done $0x0  }
0xab: {  	s25 =	simm.s32 $0x1B8E;
	[sflag:s24] =	ssyncadd.s32 $0xFFFFFFFF  }
0xac: {  	s26 =	simm.s32 $execute0_lowered;
	[smem:$0x3FD2] =	sst s25  }
0xad: {  	s6 =	sshll.u32 s26, $0x1;
	_ =	strace $0x80000046;
	[dreg:$0x1] =	wrdreg $0xFFFFFFFF  }
0xae: {  	s28 =	simm.s32 $_size_execute0_lowered;
	s5 =	sadd.s32 s5, s6;
	[dreg:$0x0] =	wrdreg $0x0  }
0xaf: {  	s6 =	sshll.u32 s28, $0x1;
	[dreg:$0x2] =	wrdreg s5  }
0xb0: {  	[dreg:$0x3] =	wrdreg s6  }
0xb1: {  	[dreg:$0x4] =	wrdreg $0xC0  }
0xb2: {  	_ =	task [dreg:s9], $0x5FFFF  }
0xb3: {  	[dreg:$0x1] =	wrdreg $0xFFFFFFFF  }
0xb4: {  	[dreg:$0x0] =	wrdreg $0x60  }
0xb5: {  	[dreg:$0x2] =	wrdreg s16  }
0xb6: {  	[dreg:$0x3] =	wrdreg s4  }
0xb7: {  	[dreg:$0x4] =	wrdreg s17  }
0xb8: {  	[dreg:$0x5] =	wrdreg $0x9  }
0xb9: {  	_ =	task.clear_ibuf [dreg:s9], $0x6FFFF;
	_ =	strace $0x90000046  }
0xba: {  	s29 =	simm.s32 $0x9;
	_ =	strace $0x80000048  }
0xbb: {  	_ =	swait.ge [sflag:s29], $0x1  }
0xbc: {  	[sflag:s29] =	ssyncadd.s32 $0xFFFFFFFF  }
0xbd: {  	_ =	strace $0x90000048  }
0xbe: {  	_ =	sfence  }
0xbf: {  	s30 =	sld [smem:$0x0];
	_ =	sdelay $0x2  }
0xc0: {  	s31 =	sshll.u32 s1, $0xD;
	s1 =	sshrl.u32 s1, $0x2  }
0xc1: {  	s3 =	sand.u32 $0x4000, s31;
	s1 =	sadd.s32 s1, s30  }
0xc2: {  	s0 =	sor.u32 s3, s0;
	s1 =	sshll.u32 s1, $0x11  }
0xc3: {  	s0 =	sor.u32 s1, s0  }
0xc4: {  	s0 =	sadd.s32 $0x8F2B, s0  }
0xc5: {  	[sflag:s0] =	ssyncadd.remote.s32 $0x1  }
0xc6: {  	_ =	sfence.sel $0xFFFF  }
0xc7: {  	[dreg:$0x0] =	wrdreg $0xFFFFFFFF;
	(pc) =	sbr.abs _section_cstart, $3  }
0xc8: {  	[dreg:$0x1] =	wrdreg $0xFFFFFFFF  }
0xc9: {  	_ =	task.clear_ibuf [dreg:s9], $0x2FFFF;
	_ =	strace $0x9FFFFFFF  }
0xca: {  	(tm) =	ssettm $0x7FFFFFFF  }
0xcb: {  	_ =	shalt  }
tec
execute0_lowered:
.L_overlay_start_1:
0x0: {  	(tag) =	ssettag $0x1  }
0x1: {  	s1 =	rddreg [dreg:$0x0]  }
0x2: {  	s2 =	srdreg.scid;
	s4 =	rddreg [dreg:$0x1]  }
0x3: {  	s0 =	stileid.u32;
	s9 =	rddreg [dreg:$0x2];
	s6 =	sand.u32 $0x1, s2  }
0x4: {  	s3 =	simm.s32 $0x0;
	s5 =	sshll.u32 s0, $0x6;
	s7 =	sshll.u32 s6, $0x5  }
0x5: {  	[smem:$0x7FF] =	sst s3;
	s10 =	sor.u32 s7, s5  }
0x6: {  	s2 =	rddreg [dreg:$0x3];
	_ =	strace $0x80000047;
	s5 =	sshrl.u32 s10, $0x3  }
0x7: {  	s11 =	ssub.s32 $0x2, s6;
	s5 =	sadd.s32 s4, s5;
	s4 =	simm.s32 $0x2  }
0x8: {  	[tilespmem:s3], [sflag:$0x2] =	stream.linear.gather [hbm4b:s5+s3], $0x20, $0x38;
	[tilespmem:$0x1080] =	vst v63  }
0x9: {  	s8 =	simm.s32 $0x1;
	s12 =	sshrl.u32 s11, $0x1;
	_ =	swait.ge [sflag:s4], $0x20  }
0xa: {  	s6 =	simm.s32 $0x20;
	s11 =	ssub.s32 s11, s12;
	[sflag:s4] =	ssyncset.done $0x0  }
0xb: {  	s7 =	simm.s32 $0x80;
	s31 =	smax.u32 s11, $0x1;
	[sflag:s4] =	ssyncadd.s32 $0xFFFFFFE0  }
0xc: {  	[tilespmem:s7], [sflag:$0x1] =	stream.indirect.gather [hbm4b:s1+s6], $0x80, s3, s6, $0xb8;
	[tilespmem:$0x1080] =	vst v63  }
0xd: {  	p0 =	sne.s32 s31, $0x1;
	_ =	swait.ge [sflag:s8], $0x1000  }
.Ltmp0:
0xe: {  	s10 =	sshll.u32 s10, $0x4;
	[sflag:s8] =	ssyncset.done $0x0;
	(pc) =	sbr.rel @!p0 .LBB2_2-.Ltmp0, $4  }
0xf: {  	s9 =	sadd.s32 s9, s10;
	[sflag:s8] =	ssyncadd.s32 $0xFFFFF000  }
0x10: {  	[hbm4b:s9+s3] =	stream.linear.scatter [tilespmem:s7], [sflag:$0x2], $0x1000, $0x38;
	[tilespmem:$0x1080] =	vst v63  }
0x11: {  	_ =	swait.ge [sflag:s4], $0x1000  }
0x12: {  	s10 =	sadd.s32 $0xFFFFFFFF, s31;
	[sflag:s4] =	ssyncset.done $0x0  }
.LBB2_1:
0x13: {  	p0 =	sne.s32 s10, $0x1;
	s10 =	sadd.s32 $0xFFFFFFFF, s10;
	[sflag:s4] =	ssyncadd.s32 $0xFFFFF000  }
0x14: {  	[tilespmem:s3], [sflag:$0x2] =	stream.linear.gather [hbm4b:s5+s3], $0x20, $0x38;
	[tilespmem:$0x1080] =	vst v63  }
0x15: {  	_ =	swait.ge [sflag:s4], $0x20  }
0x16: {  	[sflag:s4] =	ssyncset.done $0x0  }
0x17: {  	[sflag:s4] =	ssyncadd.s32 $0xFFFFFFE0  }
0x18: {  	[tilespmem:s7], [sflag:$0x1] =	stream.indirect.gather [hbm4b:s1+s6], $0x80, s3, s6, $0xb8;
	[tilespmem:$0x1080] =	vst v63  }
0x19: {  	_ =	swait.ge [sflag:s8], $0x1000  }
.Ltmp1:
0x1a: {  	[sflag:s8] =	ssyncset.done $0x0;
	(pc) =	sbr.rel @p0 .LBB2_1-.Ltmp1, $4  }
0x1b: {  	[sflag:s8] =	ssyncadd.s32 $0xFFFFF000  }
0x1c: {  	[hbm4b:s9+s3] =	stream.linear.scatter [tilespmem:s7], [sflag:$0x2], $0x1000, $0x38;
	[tilespmem:$0x1080] =	vst v63  }
0x1d: {  	_ =	swait.ge [sflag:s4], $0x1000  }
0x1e: {  	[sflag:s4] =	ssyncset.done $0x0  }
.LBB2_2:
0x1f: {  	[sflag:s4] =	ssyncadd.s32 $0xFFFFF000  }
0x20: {  	_ =	sfence.sel $0x180000  }
0x21: {  	[bflag:$0x0] =	sbarrier.arrive $0xFFFF  }
0x22: {  	p0 =	sne.s32 s0, $0x0;
	_ =	strace $0x90000047  }
0x23: {  	s0 =	sadd.s32 @!p0 $0x100000, s2;
	[bflag:$0x2] =	sbarrier.arrive $0xFFFF  }
0x24: {  	[sflag:s0] =	ssyncadd.tile.s32 @!p0 $0x1;
	_ =	shalt  }
.Lfunc_end2:
_tile_overlayer_lowered:
.L_overlay_start_2:
0x25: {  	(tag) =	ssettag $0x2  }
0x26: {  	s0 =	rddreg [dreg:$0x0];
	s2 =	stileid.u32  }
0x27: {  	s1 =	rddreg [dreg:$0x1];
	p0 =	sne.s32 s2, $0x0  }
0x28: {  	s3 =	rddreg [dreg:$0x2];
	[bflag:$0x3] =	sbarrier.arrive $0xFFFF;
	s2 =	simm.s32 @!p0 $0x1C02  }
0x29: {  	[timem:s3], [sflag:s2] =	dma.local @!p0 [hbm:s0], s1  }
0x2a: {  	s0 =	simm.s32 @!p0 $0x2  }
0x2b: {  	_ =	swait.ge @!p0 [sflag:s0], s1  }
0x2c: {  	s1 =	ssub.s32 @!p0 $0x0, s1;
	[sflag:s0] =	ssyncset.done @!p0 $0x0  }
0x2d: {  	[sflag:s0] =	ssyncadd.s32 @!p0 s1  }
0x2e: {  	[bflag:$0x3] =	sbarrier.arrive $0xFFFF  }
0x2f: {  	_ =	shalt  }

</sc_bundles>
